<compile_context>
chip_gen: v7x
topology: tpu7x:2x2x1
jax: 0.10.2.dev20260603
libtpu: 0.0.44.dev20260713+nightly
codegen_flags: <defaults>
</compile_context>

<pallas_src>
import functools

import jax
import jax.numpy as jnp
from jax import lax
from jax.experimental import pallas as pl
from jax.experimental.pallas import tpu as pltpu
from jax.experimental.pallas import tpu_sc as plsc

DIM = 2048
B_TOT = 4 * 4096
NC, NS = 2, 16
NW = NC * NS
B_PER_W = B_TOT // NW
CHUNK = 16
N_CHUNKS = B_PER_W // CHUNK

_mesh = plsc.VectorSubcoreMesh(core_axis_name="c", subcore_axis_name="s")


@functools.partial(
    pl.kernel,
    out_type=jax.ShapeDtypeStruct((B_TOT, DIM), jnp.float32),
    mesh=_mesh,
    scratch_types=[
        pltpu.VMEM((B_PER_W,), jnp.int32),
        pltpu.VMEM((CHUNK, DIM), jnp.float32),
        pltpu.VMEM((CHUNK, DIM), jnp.float32),
        pltpu.SemaphoreType.DMA,
        pltpu.SemaphoreType.DMA,
    ],
)
def _emb_lookup(idx_hbm, table_hbm, out_hbm, idx_v, rows0, rows1, gsem0, gsem1):
    wid = lax.axis_index("s") * NC + lax.axis_index("c")
    base = wid * B_PER_W

    pltpu.sync_copy(idx_hbm.at[wid // 8, pl.ds((wid % 8) * B_PER_W, B_PER_W)],
                    idx_v)

    def start_gather(c, buf, sem):
        pltpu.async_copy(table_hbm.at[idx_v.at[pl.ds(c * CHUNK, CHUNK)]],
                         buf, sem)

    def wait_gather(buf, sem):
        pltpu.make_async_copy(table_hbm.at[idx_v.at[pl.ds(0, CHUNK)]],
                              buf, sem).wait()

    def store(buf, c):
        pltpu.sync_copy(buf, out_hbm.at[pl.ds(base + c * CHUNK, CHUNK)])

    start_gather(0, rows0, gsem0)

    def body(i, carry):
        c = 2 * i
        start_gather(c + 1, rows1, gsem1)
        wait_gather(rows0, gsem0)
        store(rows0, c)

        @pl.when(c + 2 < N_CHUNKS)
        def _():
            start_gather(c + 2, rows0, gsem0)

        wait_gather(rows1, gsem1)
        store(rows1, c + 1)
        return carry

    lax.fori_loop(0, N_CHUNKS // 2, body, 0)


def kernel(x, W):
    out = _emb_lookup(x.astype(jnp.int32), W)
    return out.reshape(x.shape[0], x.shape[1], DIM)

# --- scband reference (transcript-rebuilt; emitter-appended) ---
"""Pipeline reference for scband-llama2-embedding-66013647339680 (READ-ONLY COPY).

The authoritative reference and input builder live on the scoring server;
editing this copy changes nothing except your own understanding.
"""

import jax, jax.numpy as jnp
import numpy as np

VOCAB = 100000
DIM = 2048
B = 4
S = 4096


def setup_inputs(seed: int = 0) -> dict:
    key = jax.random.key(seed)
    k1, k2 = jax.random.split(key)
    x = jax.random.randint(k1, (B, S), 0, VOCAB, dtype=jnp.int64 if jax.config.jax_enable_x64 else jnp.int32)
    W = jax.random.normal(k2, (VOCAB, DIM), dtype=jnp.float32) * 0.02
    return {"x": x, "W": W}


def reference(x, W):
    # nn.Embedding lookup: gather rows of the table by token id
    embedding = jnp.take(W, x, axis=0)
    return embedding

if __name__ == "__main__":
    import jax
    _d = setup_inputs()
    print(jax.jit(kernel)(*tuple(_d.values())))

</pallas_src>

<mosaic_0001>
#map = affine_map<(d0, d1) -> (0, 0)>
module attributes {stable_mosaic.version = 14 : i64} {
  func.func @_emb_lookup(%arg0: i32, %arg1: i32, %arg2: memref<4x4096xi32, #tpu.memory_space<hbm>>, %arg3: memref<100000x2048xf32, #tpu.memory_space<hbm>>, %arg4: memref<16384x2048xf32, #tpu.memory_space<hbm>>, %arg5: memref<512xi32, #tpu.memory_space<vmem>>, %arg6: memref<16x2048xf32, #tpu.memory_space<vmem>>, %arg7: memref<16x2048xf32, #tpu.memory_space<vmem>>, %arg8: memref<!tpu.dma_semaphore, #tpu.memory_space<semaphore_mem>>, %arg9: memref<!tpu.dma_semaphore, #tpu.memory_space<semaphore_mem>>) attributes {dimension_semantics = [#tpu.dimension_semantics<core_parallel>, #tpu.dimension_semantics<subcore_parallel>], iteration_bounds = array<i64: 2, 16>, scalar_prefetch = 0 : i64, scratch_operands = 5 : i64, tpu.core_type = #tpu.core_type<sc_vector_subcore>, window_params = [{transform_indices = #map}, {transform_indices = #map}, {transform_indices = #map}]} {
    %mul3A = arith.constant 2 : i32
    %mul3A_0 = arith.muli %arg1, %mul3A : i32
    %add3A = arith.addi %mul3A_0, %arg0 : i32
    %mul3A_1 = arith.constant 512 : i32
    %mul3A_2 = arith.muli %add3A, %mul3A_1 : i32
    %jit3A = arith.constant 8 : i32
    %div3A = arith.divsi %add3A, %jit3A : i32
    %sign3A = arith.constant 0 : i32
    %sign3A_3 = arith.cmpi sgt, %add3A, %sign3A : i32
    %sign3A_4 = arith.extui %sign3A_3 : i1 to i32
    %sign3A_5 = arith.constant 0 : i32
    %sign3A_6 = arith.cmpi slt, %add3A, %sign3A_5 : i32
    %sign3A_7 = arith.extui %sign3A_6 : i1 to i32
    %sign3A_8 = arith.subi %sign3A_4, %sign3A_7 : i32
    %sign3A_9 = arith.constant 0 : i32
    %sign3A_10 = arith.cmpi sgt, %jit3A, %sign3A_9 : i32
    %sign3A_11 = arith.extui %sign3A_10 : i1 to i32
    %sign3A_12 = arith.constant 0 : i32
    %sign3A_13 = arith.cmpi slt, %jit3A, %sign3A_12 : i32
    %sign3A_14 = arith.extui %sign3A_13 : i1 to i32
    %sign3A_15 = arith.subi %sign3A_11, %sign3A_14 : i32
    %ne3A = arith.cmpi ne, %sign3A_8, %sign3A_15 : i32
    %rem3A = arith.remsi %add3A, %jit3A : i32
    %ne3A_16 = arith.constant 0 : i32
    %ne3A_17 = arith.cmpi ne, %rem3A, %ne3A_16 : i32
    %and3A = arith.andi %ne3A, %ne3A_17 : i1
    %sub3A = arith.constant 1 : i32
    %sub3A_18 = arith.subi %div3A, %sub3A : i32
    %select_n3A = arith.select %and3A, %sub3A_18, %div3A : i32
    %jit3A_19 = arith.constant 8 : i32
    %eq3A = arith.constant 0 : i32
    %eq3A_20 = arith.cmpi eq, %jit3A_19, %eq3A : i32
    %jit3A_21 = arith.constant 1 : i32
    %select_n3A_22 = arith.select %eq3A_20, %jit3A_21, %jit3A_19 : i32
    %rem3A_23 = arith.remsi %add3A, %select_n3A_22 : i32
    %ne3A_24 = arith.constant 0 : i32
    %ne3A_25 = arith.cmpi ne, %rem3A_23, %ne3A_24 : i32
    %lt3A = arith.constant 0 : i32
    %lt3A_26 = arith.cmpi slt, %rem3A_23, %lt3A : i32
    %lt3A_27 = arith.constant 0 : i32
    %lt3A_28 = arith.cmpi slt, %select_n3A_22, %lt3A_27 : i32
    %ne3A_29 = arith.xori %lt3A_26, %lt3A_28 : i1
    %and3A_30 = arith.andi %ne3A_29, %ne3A_25 : i1
    %add3A_31 = arith.addi %rem3A_23, %select_n3A_22 : i32
    %select_n3A_32 = arith.select %and3A_30, %add3A_31, %rem3A_23 : i32
    %mul3A_33 = arith.constant 512 : i32
    %mul3A_34 = arith.muli %select_n3A_32, %mul3A_33 : i32
    "tpu.region"() ({
      %run_scoped3A = tpu.sem_alloc : memref<!tpu.dma_semaphore, #tpu.memory_space<semaphore_mem>>
      %dma_start3A_44 = tpu.memref_slice %arg2[%select_n3A, %mul3A_34] : memref<4x4096xi32, #tpu.memory_space<hbm>> -> memref<1x512xi32, #tpu.memory_space<hbm>>
      %dma_start3A_45 = tpu.memref_squeeze %dma_start3A_44 : memref<1x512xi32, #tpu.memory_space<hbm>> -> memref<512xi32, #tpu.memory_space<hbm>>
      %dma_start3A_46 = tpu.memref_slice %arg2[%select_n3A, %mul3A_34] : memref<4x4096xi32, #tpu.memory_space<hbm>> -> memref<1x512xi32, #tpu.memory_space<hbm>>
      %dma_start3A_47 = tpu.memref_squeeze %dma_start3A_46 : memref<1x512xi32, #tpu.memory_space<hbm>> -> memref<512xi32, #tpu.memory_space<hbm>>
      tpu.enqueue_dma source(%dma_start3A_47 : memref<512xi32, #tpu.memory_space<hbm>>) target(%arg5 : memref<512xi32, #tpu.memory_space<vmem>>) target_semaphore(%run_scoped3A : memref<!tpu.dma_semaphore, #tpu.memory_space<semaphore_mem>>)
      %dma_wait3A = tpu.memref_slice %arg2[%select_n3A, %mul3A_34] : memref<4x4096xi32, #tpu.memory_space<hbm>> -> memref<1x512xi32, #tpu.memory_space<hbm>>
      %dma_wait3A_48 = tpu.memref_squeeze %dma_wait3A : memref<1x512xi32, #tpu.memory_space<hbm>> -> memref<512xi32, #tpu.memory_space<hbm>>
      %dma_wait3A_49 = tpu.memref_slice %arg2[%select_n3A, %mul3A_34] : memref<4x4096xi32, #tpu.memory_space<hbm>> -> memref<1x512xi32, #tpu.memory_space<hbm>>
      %dma_wait3A_50 = tpu.memref_squeeze %dma_wait3A_49 : memref<1x512xi32, #tpu.memory_space<hbm>> -> memref<512xi32, #tpu.memory_space<hbm>>
      tpu.wait_dma2 semaphore(%run_scoped3A : memref<!tpu.dma_semaphore, #tpu.memory_space<semaphore_mem>>) src(%dma_wait3A_50 : memref<512xi32, #tpu.memory_space<hbm>>) dst(%arg5 : memref<512xi32, #tpu.memory_space<vmem>>)
      tpu.yield
    }) : () -> ()
    %dma_start3A = arith.constant 0 : i32
    %dma_start3A_35 = tpu.memref_slice %arg5[%dma_start3A] : memref<512xi32, #tpu.memory_space<vmem>> -> memref<16xi32, #tpu.memory_space<vmem>>
    %dma_start3A_36 = arith.constant 0 : i32
    %dma_start3A_37 = arith.constant 0 : i32
    %dma_start3A_38 = tpu.memref_slice %arg3[%dma_start3A_36, %dma_start3A_37] : memref<100000x2048xf32, #tpu.memory_space<hbm>> -> memref<100000x2048xf32, #tpu.memory_space<hbm>>
    tpu.enqueue_indirect_dma source(%dma_start3A_38 : memref<100000x2048xf32, #tpu.memory_space<hbm>>) target(%arg6 : memref<16x2048xf32, #tpu.memory_space<vmem>>) offsets(%dma_start3A_35 : memref<16xi32, #tpu.memory_space<vmem>>) semaphore(%arg8 : memref<!tpu.dma_semaphore, #tpu.memory_space<semaphore_mem>>)
    %scan3A = arith.constant 0 : i32
    %scan3A_39 = arith.constant 0 : i32
    %scan3A_40 = arith.constant 16 : i32
    %scan3A_41 = arith.addi %scan3A_39, %scan3A_40 : i32
    %scan3A_42 = arith.constant 1 : i32
    scf.for %scan3A_44 = %scan3A_39 to %scan3A_41 step %scan3A_42  : i32 {
      %mul3A_45 = arith.constant 2 : i32
      %mul3A_46 = arith.muli %mul3A_45, %scan3A_44 : i32
      %add3A_47 = arith.constant 1 : i32
      %add3A_48 = arith.addi %mul3A_46, %add3A_47 : i32
      %mul3A_49 = arith.constant 16 : i32
      %mul3A_50 = arith.muli %add3A_48, %mul3A_49 : i32
      %dma_start3A_51 = tpu.memref_slice %arg5[%mul3A_50] : memref<512xi32, #tpu.memory_space<vmem>> -> memref<16xi32, #tpu.memory_space<vmem>>
      %dma_start3A_52 = arith.constant 0 : i32
      %dma_start3A_53 = arith.constant 0 : i32
      %dma_start3A_54 = tpu.memref_slice %arg3[%dma_start3A_52, %dma_start3A_53] : memref<100000x2048xf32, #tpu.memory_space<hbm>> -> memref<100000x2048xf32, #tpu.memory_space<hbm>>
      tpu.enqueue_indirect_dma source(%dma_start3A_54 : memref<100000x2048xf32, #tpu.memory_space<hbm>>) target(%arg7 : memref<16x2048xf32, #tpu.memory_space<vmem>>) offsets(%dma_start3A_51 : memref<16xi32, #tpu.memory_space<vmem>>) semaphore(%arg9 : memref<!tpu.dma_semaphore, #tpu.memory_space<semaphore_mem>>)
      %dma_wait3A = arith.constant 0 : i32
      %dma_wait3A_55 = tpu.memref_slice %arg5[%dma_wait3A] : memref<512xi32, #tpu.memory_space<vmem>> -> memref<16xi32, #tpu.memory_space<vmem>>
      %dma_wait3A_56 = arith.constant 0 : i32
      %dma_wait3A_57 = arith.constant 0 : i32
      %dma_wait3A_58 = tpu.memref_slice %arg3[%dma_wait3A_56, %dma_wait3A_57] : memref<100000x2048xf32, #tpu.memory_space<hbm>> -> memref<100000x2048xf32, #tpu.memory_space<hbm>>
      tpu.wait_indirect_dma semaphore(%arg8 : memref<!tpu.dma_semaphore, #tpu.memory_space<semaphore_mem>>) src(%dma_wait3A_58 : memref<100000x2048xf32, #tpu.memory_space<hbm>>) dst(%arg6 : memref<16x2048xf32, #tpu.memory_space<vmem>>)
      %mul3A_59 = arith.constant 16 : i32
      %mul3A_60 = arith.muli %mul3A_46, %mul3A_59 : i32
      %add3A_61 = arith.addi %mul3A_2, %mul3A_60 : i32
      "tpu.region"() ({
        %run_scoped3A = tpu.sem_alloc : memref<!tpu.dma_semaphore, #tpu.memory_space<semaphore_mem>>
        %dma_start3A_77 = arith.constant 0 : i32
        %dma_start3A_78 = tpu.memref_slice %arg4[%add3A_61, %dma_start3A_77] : memref<16384x2048xf32, #tpu.memory_space<hbm>> -> memref<16x2048xf32, #tpu.memory_space<hbm>>
        %dma_start3A_79 = arith.constant 0 : i32
        %dma_start3A_80 = tpu.memref_slice %arg4[%add3A_61, %dma_start3A_79] : memref<16384x2048xf32, #tpu.memory_space<hbm>> -> memref<16x2048xf32, #tpu.memory_space<hbm>>
        tpu.enqueue_dma source(%arg6 : memref<16x2048xf32, #tpu.memory_space<vmem>>) target(%dma_start3A_80 : memref<16x2048xf32, #tpu.memory_space<hbm>>) target_semaphore(%run_scoped3A : memref<!tpu.dma_semaphore, #tpu.memory_space<semaphore_mem>>)
        %dma_wait3A_81 = arith.constant 0 : i32
        %dma_wait3A_82 = tpu.memref_slice %arg4[%add3A_61, %dma_wait3A_81] : memref<16384x2048xf32, #tpu.memory_space<hbm>> -> memref<16x2048xf32, #tpu.memory_space<hbm>>
        %dma_wait3A_83 = arith.constant 0 : i32
        %dma_wait3A_84 = tpu.memref_slice %arg4[%add3A_61, %dma_wait3A_83] : memref<16384x2048xf32, #tpu.memory_space<hbm>> -> memref<16x2048xf32, #tpu.memory_space<hbm>>
        tpu.wait_dma2 semaphore(%run_scoped3A : memref<!tpu.dma_semaphore, #tpu.memory_space<semaphore_mem>>) src(%arg6 : memref<16x2048xf32, #tpu.memory_space<vmem>>) dst(%dma_wait3A_84 : memref<16x2048xf32, #tpu.memory_space<hbm>>)
        tpu.yield
      }) : () -> ()
      %add3A_62 = arith.constant 2 : i32
      %add3A_63 = arith.addi %mul3A_46, %add3A_62 : i32
      %lt3A_64 = arith.constant 32 : i32
      %lt3A_65 = arith.cmpi slt, %add3A_63, %lt3A_64 : i32
      %convert_element_type3A = arith.extui %lt3A_65 : i1 to i32
      %cond3A = arith.constant 0 : i32
      %cond3A_66 = arith.cmpi ne, %convert_element_type3A, %cond3A : i32
      scf.if %cond3A_66 {
        %add3A_77 = arith.constant 2 : i32
        %add3A_78 = arith.addi %mul3A_46, %add3A_77 : i32
        %mul3A_79 = arith.constant 16 : i32
        %mul3A_80 = arith.muli %add3A_78, %mul3A_79 : i32
        %dma_start3A_81 = tpu.memref_slice %arg5[%mul3A_80] : memref<512xi32, #tpu.memory_space<vmem>> -> memref<16xi32, #tpu.memory_space<vmem>>
        %dma_start3A_82 = arith.constant 0 : i32
        %dma_start3A_83 = arith.constant 0 : i32
        %dma_start3A_84 = tpu.memref_slice %arg3[%dma_start3A_82, %dma_start3A_83] : memref<100000x2048xf32, #tpu.memory_space<hbm>> -> memref<100000x2048xf32, #tpu.memory_space<hbm>>
        tpu.enqueue_indirect_dma source(%dma_start3A_84 : memref<100000x2048xf32, #tpu.memory_space<hbm>>) target(%arg6 : memref<16x2048xf32, #tpu.memory_space<vmem>>) offsets(%dma_start3A_81 : memref<16xi32, #tpu.memory_space<vmem>>) semaphore(%arg8 : memref<!tpu.dma_semaphore, #tpu.memory_space<semaphore_mem>>)
      } else {
      }
      %dma_wait3A_67 = arith.constant 0 : i32
      %dma_wait3A_68 = tpu.memref_slice %arg5[%dma_wait3A_67] : memref<512xi32, #tpu.memory_space<vmem>> -> memref<16xi32, #tpu.memory_space<vmem>>
      %dma_wait3A_69 = arith.constant 0 : i32
      %dma_wait3A_70 = arith.constant 0 : i32
      %dma_wait3A_71 = tpu.memref_slice %arg3[%dma_wait3A_69, %dma_wait3A_70] : memref<100000x2048xf32, #tpu.memory_space<hbm>> -> memref<100000x2048xf32, #tpu.memory_space<hbm>>
      tpu.wait_indirect_dma semaphore(%arg9 : memref<!tpu.dma_semaphore, #tpu.memory_space<semaphore_mem>>) src(%dma_wait3A_71 : memref<100000x2048xf32, #tpu.memory_space<hbm>>) dst(%arg7 : memref<16x2048xf32, #tpu.memory_space<vmem>>)
      %add3A_72 = arith.constant 1 : i32
      %add3A_73 = arith.addi %mul3A_46, %add3A_72 : i32
      %mul3A_74 = arith.constant 16 : i32
      %mul3A_75 = arith.muli %add3A_73, %mul3A_74 : i32
      %add3A_76 = arith.addi %mul3A_2, %mul3A_75 : i32
      "tpu.region"() ({
        %run_scoped3A = tpu.sem_alloc : memref<!tpu.dma_semaphore, #tpu.memory_space<semaphore_mem>>
        %dma_start3A_77 = arith.constant 0 : i32
        %dma_start3A_78 = tpu.memref_slice %arg4[%add3A_76, %dma_start3A_77] : memref<16384x2048xf32, #tpu.memory_space<hbm>> -> memref<16x2048xf32, #tpu.memory_space<hbm>>
        %dma_start3A_79 = arith.constant 0 : i32
        %dma_start3A_80 = tpu.memref_slice %arg4[%add3A_76, %dma_start3A_79] : memref<16384x2048xf32, #tpu.memory_space<hbm>> -> memref<16x2048xf32, #tpu.memory_space<hbm>>
        tpu.enqueue_dma source(%arg7 : memref<16x2048xf32, #tpu.memory_space<vmem>>) target(%dma_start3A_80 : memref<16x2048xf32, #tpu.memory_space<hbm>>) target_semaphore(%run_scoped3A : memref<!tpu.dma_semaphore, #tpu.memory_space<semaphore_mem>>)
        %dma_wait3A_81 = arith.constant 0 : i32
        %dma_wait3A_82 = tpu.memref_slice %arg4[%add3A_76, %dma_wait3A_81] : memref<16384x2048xf32, #tpu.memory_space<hbm>> -> memref<16x2048xf32, #tpu.memory_space<hbm>>
        %dma_wait3A_83 = arith.constant 0 : i32
        %dma_wait3A_84 = tpu.memref_slice %arg4[%add3A_76, %dma_wait3A_83] : memref<16384x2048xf32, #tpu.memory_space<hbm>> -> memref<16x2048xf32, #tpu.memory_space<hbm>>
        tpu.wait_dma2 semaphore(%run_scoped3A : memref<!tpu.dma_semaphore, #tpu.memory_space<semaphore_mem>>) src(%arg7 : memref<16x2048xf32, #tpu.memory_space<vmem>>) dst(%dma_wait3A_84 : memref<16x2048xf32, #tpu.memory_space<hbm>>)
        tpu.yield
      }) : () -> ()
    }
    %scan3A_43 = arith.constant 16 : i32
    return
  }
}

</mosaic_0001>

<sc_bundles>
// kernel: kernel.3.cloned.1.call-start
scs
__scs_entry_jumppad:
0x0: {  	(pc) =	sbr.rel $0x88, $3  }
0x1: {  	(tag) =	ssettag $0x0;
	lr =	simm.s32 $0x1  }
0x2: {  	[smem:$0x3F9F] =	sst lr;
	_ =	strace $0xD0000000  }
0x3: {  	_ = 	snop  }
0x4: {  	_ = 	snop  }
0x5: {  	_ = 	snop  }
0x6: {  	_ = 	snop  }
0x7: {  	_ = 	snop  }
__scs_overlays_trampoline_lowered:
0x8: {  	[smem:$0x3FAE] =	sst s0  }
0x9: {  	[smem:$0x3FAF] =	sst s1  }
0xa: {  	[smem:$0x3FB0] =	sst s2  }
0xb: {  	[smem:$0x3FB1] =	sst s3  }
0xc: {  	[smem:$0x3FB2] =	sst s4  }
0xd: {  	[smem:$0x3FB3] =	sst s5  }
0xe: {  	[smem:$0x3FB4] =	sst s6  }
0xf: {  	[smem:$0x3FB5] =	sst s7  }
0x10: {  	[smem:$0x3FB6] =	sst s8  }
0x11: {  	[smem:$0x3FB7] =	sst s9;
	s0 =	simm.s32 @!p0 $0x0  }
0x12: {  	s1 =	sld [smem:$0x3F9D];
	s0 =	simm.s32 @p0 $0x1  }
0x13: {  	[smem:$0x3FB8] =	sst s0;
	s0 =	simm.s32 @!p1 $0x0  }
0x14: {  	s2 =	sld [smem:$0x3F9C];
	s0 =	simm.s32 @p1 $0x1  }
0x15: {  	[smem:$0x3FB9] =	sst s0;
	s0 =	simm.s32 @!p2 $0x0  }
0x16: {  	s3 =	sld [smem:$0x3FDB];
	s0 =	simm.s32 @p2 $0x1  }
0x17: {  	s4 =	simm.s32 $0x1BF5;
	[smem:$0x3FBB] =	sst s0  }
0x18: {  	s0 =	sld [smem:$0x3F9E];
	_ =	swait.ge [sflag:s4], $0x0  }
0x19: {  	s7 =	sld [smem:$0x3F9F]  }
0x1a: {  	s8 =	sadd.s32 $0xFFFFE003, lr  }
0x1b: {  	s9 =	sadd.s32 $0xFFFFFEF7, lr;
	s5 =	simm.s32 $0xFFFFFFFF;
	p2 =	slt.u32 s8, $0xFFFFF086  }
0x1c: {  	p1 =	slt.u32 s9, $0xF7A;
	s5 =	simm.s32 @!p2 $0x0  }
0x1d: {  	s5 =	simm.s32 @p1 $0x1;
	p0 =	seq.s32 s7, s2  }
0x1e: {  	s7 =	smul.u32 @!p0 $0xF7A, s2;
	p2 =	seq.s32 @!p0 s5, $0x0  }
0x1f: {  	s9 =	smul.u32 $0xF7A, s1;
	s8 =	simm.s32 @!p0 $0x1BF5;
	p2 =	por !p2, p0  }
0x20: {  	[sflag:s8] =	ssyncset.s32 @!p0 $0xFFFFF086;
	s6 =	sadd.s32 @!p0 s3, s7;
	s7 =	simm.s32 @!p0 $0x108  }
0x21: {  	s3 =	sadd.s32 s3, s9;
	s6 =	sadd.s32 @!p0 $0x88, s6;
	s7 =	simm.s32 @p2 $0x1082  }
0x22: {  	[simem:s7], [sflag:s8] =	dma.local @!p0 [hbm:s6], $0xF7A  }
0x23: {  	s9 =	sor.u32 $0xD0000000, s2;
	s6 =	simm.s32 $0x108;
	_ =	swait.ge @!p0 [sflag:s8], $0x0  }
0x24: {  	s3 =	sadd.s32 $0x88, s3;
	s6 =	simm.s32 @!p1 $0x1082;
	[sflag:s4] =	ssyncset.s32 $0xFFFFF086  }
0x25: {  	[simem:s6], [sflag:s4] =	dma.local [hbm:s3], $0xF7A  }
0x26: {  	[smem:$0x3F9F] =	sst s1;
	(tag) =	ssettag s2;
	_ =	strace s9  }
0x27: {  	s1 =	sld [smem:$0x3FAF]  }
0x28: {  	s2 =	sld [smem:$0x3FB0]  }
0x29: {  	s4 =	sld [smem:$0x3FB2]  }
0x2a: {  	p0 =	seq.s32 s5, $0x0;
	s5 =	sld [smem:$0x3FB3]  }
0x2b: {  	s6 =	sld [smem:$0x3FB4]  }
0x2c: {  	s7 =	sld [smem:$0x3FB5]  }
0x2d: {  	s3 =	simm.s32 $0x108;
	s8 =	sld [smem:$0x3FB6]  }
0x2e: {  	s3 =	simm.s32 @!p0 $0x1082;
	s9 =	sld [smem:$0x3FB7]  }
0x2f: {  	lr =	sadd.s32 s0, s3;
	s0 =	sld [smem:$0x3FAE]  }
0x30: {  	s3 =	sld [smem:$0x3FB1]  }
0x31: {  	[smem:$0x3FBA] =	sst s10  }
0x32: {  	s10 =	sld [smem:$0x3FB8];
	_ =	sdelay $0x3  }
0x33: {  	p0 =	seq.s32 s10, $0x1;
	s10 =	sld [smem:$0x3FBA];
	_ =	sdelay $0x3  }
0x34: {  	[smem:$0x3FBA] =	sst s10  }
0x35: {  	s10 =	sld [smem:$0x3FB9];
	_ =	sdelay $0x3  }
0x36: {  	p1 =	seq.s32 s10, $0x1;
	s10 =	sld [smem:$0x3FBA];
	_ =	sdelay $0x3  }
0x37: {  	[smem:$0x3FBA] =	sst s10  }
0x38: {  	s10 =	sld [smem:$0x3FBB]  }
0x39: {  	_ = 	snop;
	(pc) =	sbr.ind lr, $3  }
0x3a: {  	_ = 	snop  }
0x3b: {  	_ = 	snop  }
0x3c: {  	p2 =	seq.s32 s10, $0x1;
	s10 =	sld [smem:$0x3FBA]  }
0x3d: {  	_ =	shalt  }
0x3e: {  	_ =	shalt  }
0x3f: {  	_ =	shalt  }
0x40: {  	_ =	shalt  }
0x41: {  	_ =	shalt  }
0x42: {  	_ =	shalt  }
0x43: {  	_ =	shalt  }
0x44: {  	_ =	shalt  }
0x45: {  	_ =	shalt  }
0x46: {  	_ =	shalt  }
0x47: {  	_ =	shalt  }
0x48: {  	_ =	shalt  }
0x49: {  	_ =	shalt  }
0x4a: {  	_ =	shalt  }
0x4b: {  	_ =	shalt  }
0x4c: {  	_ =	shalt  }
0x4d: {  	_ =	shalt  }
0x4e: {  	_ =	shalt  }
0x4f: {  	_ =	shalt  }
0x50: {  	_ =	shalt  }
0x51: {  	_ =	shalt  }
0x52: {  	_ =	shalt  }
0x53: {  	_ =	shalt  }
0x54: {  	_ =	shalt  }
0x55: {  	_ =	shalt  }
0x56: {  	_ =	shalt  }
0x57: {  	_ =	shalt  }
0x58: {  	_ =	shalt  }
0x59: {  	_ =	shalt  }
0x5a: {  	_ =	shalt  }
0x5b: {  	_ =	shalt  }
0x5c: {  	_ =	shalt  }
0x5d: {  	_ =	shalt  }
0x5e: {  	_ =	shalt  }
0x5f: {  	_ =	shalt  }
0x60: {  	_ =	shalt  }
0x61: {  	_ =	shalt  }
0x62: {  	_ =	shalt  }
0x63: {  	_ =	shalt  }
0x64: {  	_ =	shalt  }
0x65: {  	_ =	shalt  }
0x66: {  	_ =	shalt  }
0x67: {  	_ =	shalt  }
0x68: {  	_ =	shalt  }
0x69: {  	_ =	shalt  }
0x6a: {  	_ =	shalt  }
0x6b: {  	_ =	shalt  }
0x6c: {  	_ =	shalt  }
0x6d: {  	_ =	shalt  }
0x6e: {  	_ =	shalt  }
0x6f: {  	_ =	shalt  }
0x70: {  	_ =	shalt  }
0x71: {  	_ =	shalt  }
0x72: {  	_ =	shalt  }
0x73: {  	_ =	shalt  }
0x74: {  	_ =	shalt  }
0x75: {  	_ =	shalt  }
0x76: {  	_ =	shalt  }
0x77: {  	_ =	shalt  }
0x78: {  	_ =	shalt  }
0x79: {  	_ =	shalt  }
0x7a: {  	_ =	shalt  }
0x7b: {  	_ =	shalt  }
0x7c: {  	_ =	shalt  }
0x7d: {  	_ =	shalt  }
0x7e: {  	_ =	shalt  }
0x7f: {  	_ =	shalt  }
0x80: {  	_ =	shalt  }
0x81: {  	_ =	shalt  }
0x82: {  	_ =	shalt  }
0x83: {  	_ =	shalt  }
0x84: {  	_ =	shalt  }
0x85: {  	_ =	shalt  }
0x86: {  	_ =	shalt  }
0x87: {  	_ =	shalt  }
.Lfunc_end0:
.L_simem_size_0:
called_computation_lowered:
.L_overlay_start_0:
0x88: {  	s2 =	sld [smem:$0x3FD9]  }
0x89: {  	s3 =	sld [smem:$0x3FFE];
	_ =	sdelay $0x1  }
0x8a: {  	s1 =	srdreg.scid  }
0x8b: {  	s0 =	sand.u32 $0x1, s1  }
0x8c: {  	s18 =	sshll.u32 s0, $0xA;
	s2 =	sadd.s32 s3, s2  }
0x8d: {  	s2 =	sadd.s32 s2, s18  }
0x8e: {  	[smem:$0x3FC6] =	sst s2  }
0x8f: {  	_ = 	snop  }
0x90: {  	s2 =	sld [smem:$0x3FC9]  }
0x91: {  	s19 =	sld [smem:$0x3FC8]  }
0x92: {  	s4 =	sld [smem:$0x3FD0];
	(tm) =	ssettm $0x1  }
0x93: {  	s5 =	sld [smem:$0x3FFB];
	_ =	sdelay $0x3  }
0x94: {  	_ =	strace s5  }
0x95: {  	s5 =	sld [smem:$0x3FFC];
	_ =	sdelay $0x3  }
0x96: {  	_ =	strace s5  }
0x97: {  	s5 =	sld [smem:$0x3FFD];
	_ =	sdelay $0x3  }
0x98: {  	_ =	strace s5  }
0x99: {  	_ =	strace $0x8FFFFFFF  }
0x9a: {  	s20 =	sld [smem:$0x3FDB];
	_ =	sdelay $0x1  }
0x9b: {  	s6 =	simm.s32 $_scs_section_size  }
0x9c: {  	s7 =	simm.s32 $_size__tile_overlayer_lowered;
	s8 =	simm.s32 $_tile_overlayer_lowered  }
0x9d: {  	s23 =	simm.s32 $0x1BFF;
	s22 =	sshll.u32 s8, $0x1;
	s5 =	sadd.s32 s6, s20  }
0x9e: {  	s9 =	simm.s32 $0x0;
	s21 =	sshll.u32 s7, $0x1;
	s7 =	sadd.s32 s22, s5  }
0x9f: {  	[timem:s9], [sflag:s23] =	dma.local [hbm:s7], s21  }
0xa0: {  	_ =	swait.ge [sflag:s23], s21  }
0xa1: {  	s6 =	ssub.s32 $0x0, s21;
	[sflag:s23] =	ssyncset.done $0x0  }
0xa2: {  	[sflag:s23] =	ssyncadd.s32 s6;
	_ =	sdelay $0x1  }
0xa3: {  	s24 =	simm.s32 $0x1B8B  }
0xa4: {  	_ =	swait.ge [sflag:s24], $0x1  }
0xa5: {  	[sflag:s24] =	ssyncset.done $0x0  }
0xa6: {  	s25 =	simm.s32 $0x1B8E;
	[sflag:s24] =	ssyncadd.s32 $0xFFFFFFFF  }
0xa7: {  	s26 =	simm.s32 $execute0_lowered;
	[smem:$0x3FD2] =	sst s25  }
0xa8: {  	s6 =	sshll.u32 s26, $0x1;
	_ =	strace $0x80000046;
	[dreg:$0x1] =	wrdreg $0xFFFFFFFF  }
0xa9: {  	s28 =	simm.s32 $_size_execute0_lowered;
	s5 =	sadd.s32 s5, s6;
	[dreg:$0x0] =	wrdreg $0x0  }
0xaa: {  	s6 =	sshll.u32 s28, $0x1;
	[dreg:$0x2] =	wrdreg s5  }
0xab: {  	[dreg:$0x3] =	wrdreg s6  }
0xac: {  	[dreg:$0x4] =	wrdreg $0xC0  }
0xad: {  	_ =	task [dreg:s9], $0x5FFFF  }
0xae: {  	[dreg:$0x1] =	wrdreg $0xFFFFFFFF  }
0xaf: {  	[dreg:$0x0] =	wrdreg $0x60  }
0xb0: {  	[dreg:$0x2] =	wrdreg s2  }
0xb1: {  	[dreg:$0x3] =	wrdreg s19  }
0xb2: {  	[dreg:$0x4] =	wrdreg s4  }
0xb3: {  	[dreg:$0x5] =	wrdreg $0x9  }
0xb4: {  	_ =	task.clear_ibuf [dreg:s9], $0x6FFFF;
	_ =	strace $0x90000046  }
0xb5: {  	s29 =	simm.s32 $0x9;
	_ =	strace $0x80000048  }
0xb6: {  	_ =	swait.ge [sflag:s29], $0x1  }
0xb7: {  	[sflag:s29] =	ssyncadd.s32 $0xFFFFFFFF  }
0xb8: {  	_ =	strace $0x90000048  }
0xb9: {  	_ =	sfence  }
0xba: {  	s30 =	sld [smem:$0x0];
	_ =	sdelay $0x2  }
0xbb: {  	s31 =	sshll.u32 s1, $0xD;
	s1 =	sshrl.u32 s1, $0x2  }
0xbc: {  	s3 =	sand.u32 $0x4000, s31;
	s1 =	sadd.s32 s1, s30  }
0xbd: {  	s0 =	sor.u32 s3, s0;
	s1 =	sshll.u32 s1, $0x11  }
0xbe: {  	s0 =	sor.u32 s1, s0  }
0xbf: {  	s0 =	sadd.s32 $0x8F2B, s0  }
0xc0: {  	[sflag:s0] =	ssyncadd.remote.s32 $0x1  }
0xc1: {  	_ =	sfence.sel $0xFFFF  }
0xc2: {  	[dreg:$0x0] =	wrdreg $0xFFFFFFFF;
	(pc) =	sbr.abs _section_cstart, $3  }
0xc3: {  	[dreg:$0x1] =	wrdreg $0xFFFFFFFF  }
0xc4: {  	_ =	task.clear_ibuf [dreg:s9], $0x2FFFF;
	_ =	strace $0x9FFFFFFF  }
0xc5: {  	(tm) =	ssettm $0x7FFFFFFF  }
tec
execute0_lowered:
.L_overlay_start_1:
0x0: {  	(tag) =	ssettag $0x1  }
0x1: {  	s0 =	rddreg [dreg:$0x0]  }
0x2: {  	s1 =	rddreg [dreg:$0x1]  }
0x3: {  	s3 =	rddreg [dreg:$0x2]  }
0x4: {  	s2 =	simm.s32 $0x0;
	s4 =	srdreg.scid;
	s10 =	stileid.u32  }
0x5: {  	s11 =	simm.s32 $0x8A00;
	s13 =	simm.s32 $0x9200;
	[smem:$0x7FF] =	sst s2  }
0x6: {  	s14 =	simm.s32 $0x9A00;
	_ =	strace $0x80000047;
	[dreg:$0x5] =	wrdreg s11  }
0x7: {  	s15 =	simm.s32 $0xA200;
	s16 =	simm.s32 $0xAA00;
	[dreg:$0x6] =	wrdreg s13  }
0x8: {  	s17 =	simm.s32 $0xB200;
	s18 =	simm.s32 $0xBA00;
	[dreg:$0x7] =	wrdreg s14  }
0x9: {  	s19 =	simm.s32 $0xC200;
	s20 =	simm.s32 $0xCA00;
	[dreg:$0x8] =	wrdreg s15  }
0xa: {  	s21 =	simm.s32 $0xD200;
	s22 =	simm.s32 $0xDA00;
	[dreg:$0x9] =	wrdreg s16  }
0xb: {  	s23 =	simm.s32 $0xE200;
	s24 =	simm.s32 $0xEA00;
	[dreg:$0xa] =	wrdreg s17  }
0xc: {  	s25 =	simm.s32 $0xF200;
	s28 =	simm.s32 $0x6200;
	[dreg:$0xb] =	wrdreg s18  }
0xd: {  	s29 =	simm.s32 $0x6A00;
	s30 =	simm.s32 $0x7200;
	[dreg:$0xc] =	wrdreg s19  }
0xe: {  	s31 =	simm.s32 $0x7A00;
	s7 =	sand.u32 $0x1, s4;
	[dreg:$0xd] =	wrdreg s20  }
0xf: {  	s5 =	sshll.u32 s10, $0x9;
	s8 =	sshll.u32 s10, $0x2;
	[dreg:$0xe] =	wrdreg s21  }
0x10: {  	s4 =	ssub.s32 $0x2, s7;
	s6 =	sshll.u32 s7, $0x8;
	[dreg:$0xf] =	wrdreg s22  }
0x11: {  	s26 =	sand.u32 $0x30, s8;
	s11 =	sadd.s32 $0x700, s1;
	[dreg:$0x10] =	wrdreg s23  }
0x12: {  	s14 =	simm.s32 $0x200;
	s15 =	simm.s32 $0x3;
	[dreg:$0x11] =	wrdreg s24  }
0x13: {  	s22 =	simm.s32 $0x3A00;
	s23 =	simm.s32 $0x4200;
	[dreg:$0x12] =	wrdreg s25  }
0x14: {  	s24 =	simm.s32 $0x4A00;
	s25 =	simm.s32 $0x5200;
	s13 =	simm.s32 $0x2  }
0x15: {  	s16 =	simm.s32 $0x0;
	s9 =	sshrl.u32 s4, $0x1;
	s5 =	sor.u32 s6, s5  }
0x16: {  	s0 =	sadd.s32 s0, s26;
	s6 =	sadd.s32 $0x200, s1;
	s26 =	simm.s32 $0xFA00  }
0x17: {  	s12 =	ssub.s32 s4, s9;
	s8 =	sand.u32 $0x700, s5;
	s5 =	sadd.s32 $0x100, s1  }
0x18: {  	s9 =	sshll.u32 s10, $0x12;
	s10 =	sshll.u32 s7, $0x11;
	s7 =	sadd.s32 $0x300, s1  }
0x19: {  	[dreg:$0x13] =	wrdreg s26;
	s26 =	simm.s32 $0x5A00;
	s4 =	sadd.s32 s8, s0  }
0x1a: {  	v2 =	vlaneseq.u32;
	s0 =	sadd.s32 s9, s3;
	s8 =	sadd.s32 $0x400, s1;
	s9 =	sadd.s32 $0x500, s1  }
0x1b: {  	vm0 =	vmmov $0xffff;
	v1 =	vshrl.u32 v2, $0x3;
	s12 =	smax.u32 s12, $0x1;
	s3 =	simm.s32 $0x1;
	s0 =	sadd.s32 s10, s0  }
0x1c: {  	v0 =	vand.u32 $0x7, v2;
	v2 =	vor.u32 $0x8, v2;
	v1 =	vmul.u32 $0x8, v1;
	s10 =	sadd.s32 $0x600, s1;
	[dreg:$0x4] =	wrdreg s0;
	s0 =	simm.s32 $0x8200  }
.LBB2_1:
0x1d: {  	s17 =	simm.s32 $0x80  }
0x1e: {  	[tilespmem:s2], [sflag:$0x3] =	stream.strided.gather [hbm4b:s4+s17], $0x200, s14, s17, $0x38;
	[tilespmem:$0x10200] =	vst v63  }
0x1f: {  	_ =	swait.ge [sflag:s15], $0x200  }
0x20: {  	[sflag:s15] =	ssyncset.done $0x0  }
0x21: {  	[sflag:s15] =	ssyncadd.s32 $0xFFFFFE00  }
0x22: {  	v3 =	vld [tilespmem:$0x0];
	_ =	sdelay $0x4  }
0x23: {  	v4 =	vshll.u32 v3, $0x4  }
0x24: {  	v3 =	vand.u32 $0x7, v3;
	v4 =	vand.u32 $0xFFFFFF80, v4  }
0x25: {  	v3 =	vor.u32 v3, v4  }
0x26: {  	v4 =	vperm.xlane v3, v0;
	_ =	sdelay $0x1  }
0x27: {  	v4 =	vadd.s32 v1, v4;
	_ =	sdelay $0x4  }
0x28: {  	[tilespmem:s14], [sflag:$0x1] =	stream.indirect_vreg.gather [hbm4b:s1+s2], $0x80, v4, vm0, $0xb8;
	[tilespmem:$0x10200] =	vst v63  }
0x29: {  	s20 =	simm.s32 $0xA00  }
0x2a: {  	[tilespmem:s20], [sflag:$0x1] =	stream.indirect_vreg.gather [hbm4b:s5+s2], $0x80, v4, vm0, $0xb8;
	[tilespmem:$0x10200] =	vst v63  }
0x2b: {  	s21 =	simm.s32 $0x1200  }
0x2c: {  	[tilespmem:s21], [sflag:$0x1] =	stream.indirect_vreg.gather [hbm4b:s6+s2], $0x80, v4, vm0, $0xb8;
	[tilespmem:$0x10200] =	vst v63  }
0x2d: {  	s18 =	simm.s32 $0x1A00  }
0x2e: {  	[tilespmem:s18], [sflag:$0x1] =	stream.indirect_vreg.gather [hbm4b:s7+s2], $0x80, v4, vm0, $0xb8;
	[tilespmem:$0x10200] =	vst v63  }
0x2f: {  	s19 =	simm.s32 $0x2200  }
0x30: {  	[tilespmem:s19], [sflag:$0x1] =	stream.indirect_vreg.gather [hbm4b:s8+s2], $0x80, v4, vm0, $0xb8;
	[tilespmem:$0x10200] =	vst v63  }
0x31: {  	v3 =	vperm.xlane v3, v2;
	s20 =	simm.s32 $0x2A00  }
0x32: {  	[tilespmem:s20], [sflag:$0x1] =	stream.indirect_vreg.gather [hbm4b:s9+s2], $0x80, v4, vm0, $0xb8;
	[tilespmem:$0x10200] =	vst v63  }
0x33: {  	v3 =	vadd.s32 v1, v3;
	s21 =	simm.s32 $0x3200  }
0x34: {  	[tilespmem:s21], [sflag:$0x1] =	stream.indirect_vreg.gather [hbm4b:s10+s2], $0x80, v4, vm0, $0xb8;
	[tilespmem:$0x10200] =	vst v63  }
0x35: {  	_ = 	snop  }
0x36: {  	[tilespmem:s22], [sflag:$0x1] =	stream.indirect_vreg.gather [hbm4b:s11+s2], $0x80, v4, vm0, $0xb8;
	[tilespmem:$0x10200] =	vst v63  }
0x37: {  	_ = 	snop  }
0x38: {  	[tilespmem:s23], [sflag:$0x1] =	stream.indirect_vreg.gather [hbm4b:s1+s2], $0x80, v3, vm0, $0xb8;
	[tilespmem:$0x10200] =	vst v63  }
0x39: {  	_ = 	snop  }
0x3a: {  	[tilespmem:s24], [sflag:$0x1] =	stream.indirect_vreg.gather [hbm4b:s5+s2], $0x80, v3, vm0, $0xb8;
	[tilespmem:$0x10200] =	vst v63  }
0x3b: {  	_ = 	snop  }
0x3c: {  	[tilespmem:s25], [sflag:$0x1] =	stream.indirect_vreg.gather [hbm4b:s6+s2], $0x80, v3, vm0, $0xb8;
	[tilespmem:$0x10200] =	vst v63  }
0x3d: {  	_ = 	snop  }
0x3e: {  	[tilespmem:s26], [sflag:$0x1] =	stream.indirect_vreg.gather [hbm4b:s7+s2], $0x80, v3, vm0, $0xb8;
	[tilespmem:$0x10200] =	vst v63  }
0x3f: {  	_ = 	snop  }
0x40: {  	[tilespmem:s28], [sflag:$0x1] =	stream.indirect_vreg.gather [hbm4b:s8+s2], $0x80, v3, vm0, $0xb8;
	[tilespmem:$0x10200] =	vst v63  }
0x41: {  	_ = 	snop  }
0x42: {  	[tilespmem:s29], [sflag:$0x1] =	stream.indirect_vreg.gather [hbm4b:s9+s2], $0x80, v3, vm0, $0xb8;
	[tilespmem:$0x10200] =	vst v63  }
0x43: {  	_ = 	snop  }
0x44: {  	[tilespmem:s30], [sflag:$0x1] =	stream.indirect_vreg.gather [hbm4b:s10+s2], $0x80, v3, vm0, $0xb8;
	[tilespmem:$0x10200] =	vst v63  }
0x45: {  	s17 =	simm.s32 $0x20;
	s18 =	simm.s32 $0x0  }
0x46: {  	[tilespmem:s31], [sflag:$0x1] =	stream.indirect_vreg.gather [hbm4b:s11+s2], $0x80, v3, vm0, $0xb8;
	[tilespmem:$0x10200] =	vst v63  }
.LBB2_2:
0x47: {  	v3 =	vld [tilespmem:s17+$0xFFFFFFF0];
	_ =	sdelay $0x4  }
0x48: {  	v4 =	vshll.u32 v3, $0x4  }
0x49: {  	v3 =	vand.u32 $0x7, v3;
	v4 =	vand.u32 $0xFFFFFF80, v4  }
0x4a: {  	v3 =	vor.u32 v3, v4  }
0x4b: {  	v4 =	vperm.xlane v3, v0;
	_ =	sdelay $0x1  }
0x4c: {  	v4 =	vadd.s32 v1, v4;
	_ =	sdelay $0x4  }
0x4d: {  	[tilespmem:s0], [sflag:$0x2] =	stream.indirect_vreg.gather [hbm4b:s1+s2], $0x80, v4, vm0, $0xb8;
	[tilespmem:$0x10200] =	vst v63  }
0x4e: {  	s19 =	rddreg [dreg:$0x5]  }
0x4f: {  	[tilespmem:s19], [sflag:$0x2] =	stream.indirect_vreg.gather [hbm4b:s5+s2], $0x80, v4, vm0, $0xb8;
	[tilespmem:$0x10200] =	vst v63  }
0x50: {  	s20 =	rddreg [dreg:$0x6]  }
0x51: {  	[tilespmem:s20], [sflag:$0x2] =	stream.indirect_vreg.gather [hbm4b:s6+s2], $0x80, v4, vm0, $0xb8;
	[tilespmem:$0x10200] =	vst v63  }
0x52: {  	s21 =	rddreg [dreg:$0x7]  }
0x53: {  	[tilespmem:s21], [sflag:$0x2] =	stream.indirect_vreg.gather [hbm4b:s7+s2], $0x80, v4, vm0, $0xb8;
	[tilespmem:$0x10200] =	vst v63  }
0x54: {  	s20 =	rddreg [dreg:$0x8]  }
0x55: {  	[tilespmem:s20], [sflag:$0x2] =	stream.indirect_vreg.gather [hbm4b:s8+s2], $0x80, v4, vm0, $0xb8;
	[tilespmem:$0x10200] =	vst v63  }
0x56: {  	v3 =	vperm.xlane v3, v2;
	s21 =	rddreg [dreg:$0x9]  }
0x57: {  	[tilespmem:s21], [sflag:$0x2] =	stream.indirect_vreg.gather [hbm4b:s9+s2], $0x80, v4, vm0, $0xb8;
	[tilespmem:$0x10200] =	vst v63  }
0x58: {  	v3 =	vadd.s32 v1, v3;
	s20 =	rddreg [dreg:$0xa]  }
0x59: {  	[tilespmem:s20], [sflag:$0x2] =	stream.indirect_vreg.gather [hbm4b:s10+s2], $0x80, v4, vm0, $0xb8;
	[tilespmem:$0x10200] =	vst v63  }
0x5a: {  	s21 =	rddreg [dreg:$0xb]  }
0x5b: {  	[tilespmem:s21], [sflag:$0x2] =	stream.indirect_vreg.gather [hbm4b:s11+s2], $0x80, v4, vm0, $0xb8;
	[tilespmem:$0x10200] =	vst v63  }
0x5c: {  	s20 =	rddreg [dreg:$0xc]  }
0x5d: {  	[tilespmem:s20], [sflag:$0x2] =	stream.indirect_vreg.gather [hbm4b:s1+s2], $0x80, v3, vm0, $0xb8;
	[tilespmem:$0x10200] =	vst v63  }
0x5e: {  	s21 =	rddreg [dreg:$0xd]  }
0x5f: {  	[tilespmem:s21], [sflag:$0x2] =	stream.indirect_vreg.gather [hbm4b:s5+s2], $0x80, v3, vm0, $0xb8;
	[tilespmem:$0x10200] =	vst v63  }
0x60: {  	s20 =	rddreg [dreg:$0xe]  }
0x61: {  	[tilespmem:s20], [sflag:$0x2] =	stream.indirect_vreg.gather [hbm4b:s6+s2], $0x80, v3, vm0, $0xb8;
	[tilespmem:$0x10200] =	vst v63  }
0x62: {  	s21 =	rddreg [dreg:$0xf]  }
0x63: {  	[tilespmem:s21], [sflag:$0x2] =	stream.indirect_vreg.gather [hbm4b:s7+s2], $0x80, v3, vm0, $0xb8;
	[tilespmem:$0x10200] =	vst v63  }
0x64: {  	s20 =	rddreg [dreg:$0x10]  }
0x65: {  	[tilespmem:s20], [sflag:$0x2] =	stream.indirect_vreg.gather [hbm4b:s8+s2], $0x80, v3, vm0, $0xb8;
	[tilespmem:$0x10200] =	vst v63  }
0x66: {  	s21 =	rddreg [dreg:$0x11]  }
0x67: {  	[tilespmem:s21], [sflag:$0x2] =	stream.indirect_vreg.gather [hbm4b:s9+s2], $0x80, v3, vm0, $0xb8;
	[tilespmem:$0x10200] =	vst v63  }
0x68: {  	s20 =	rddreg [dreg:$0x12]  }
0x69: {  	[tilespmem:s20], [sflag:$0x2] =	stream.indirect_vreg.gather [hbm4b:s10+s2], $0x80, v3, vm0, $0xb8;
	[tilespmem:$0x10200] =	vst v63  }
0x6a: {  	s21 =	rddreg [dreg:$0x13]  }
0x6b: {  	[tilespmem:s21], [sflag:$0x2] =	stream.indirect_vreg.gather [hbm4b:s11+s2], $0x80, v3, vm0, $0xb8;
	[tilespmem:$0x10200] =	vst v63  }
0x6c: {  	_ =	swait.ge [sflag:s3], $0x8000  }
0x6d: {  	s21 =	rddreg [dreg:$0x4];
	[sflag:s3] =	ssyncset.done $0x0  }
0x6e: {  	[sflag:s3] =	ssyncadd.s32 $0xFFFF8000;
	s19 =	sadd.s32 s18, s21  }
0x6f: {  	[hbm4b:s19+s2] =	stream.linear.scatter [tilespmem:s14], [sflag:$0x3], $0x8000, $0x38;
	[tilespmem:$0x10200] =	vst v63  }
0x70: {  	_ =	swait.ge [sflag:s15], $0x8000  }
0x71: {  	[sflag:s15] =	ssyncset.done $0x0  }
0x72: {  	p0 =	seq.s32 s18, $0x1E000;
	[sflag:s15] =	ssyncadd.s32 $0xFFFF8000  }
0x73: {  	v3 =	vld @!p0 [tilespmem:s17+$0x0];
	_ =	sdelay $0x4  }
0x74: {  	v4 =	vshll.u32 @!p0 v3, $0x4  }
0x75: {  	v5 =	vlaneseq.u32 @!p0;
	v3 =	vand.u32 @!p0 $0x7, v3;
	v4 =	vand.u32 @!p0 $0xFFFFFF80, v4  }
0x76: {  	v6 =	vshrl.u32 @!p0 v5, $0x3;
	v3 =	vor.u32 @!p0 v3, v4;
	v4 =	vand.u32 @!p0 $0x7, v5  }
0x77: {  	v6 =	vmul.u32 @!p0 $0x8, v6;
	v4 =	vperm.xlane @!p0 v3, v4;
	_ =	sdelay $0x1  }
0x78: {  	v4 =	vadd.s32 @!p0 v6, v4;
	_ =	sdelay $0x3  }
0x79: {  	vm1 =	vmmov @!p0 $0xffff;
	s20 =	simm.s32 @!p0 $0x0;
	s21 =	simm.s32 @!p0 $0x200  }
0x7a: {  	[tilespmem:s21], [sflag:$0x1] =	stream.indirect_vreg.gather @!p0 [hbm4b:s1+s20], $0x80, v4, vm1, $0xb8;
	[tilespmem:$0x10200] =	vst v63  }
0x7b: {  	s21 =	simm.s32 @!p0 $0xA00  }
0x7c: {  	[tilespmem:s21], [sflag:$0x1] =	stream.indirect_vreg.gather @!p0 [hbm4b:s5+s20], $0x80, v4, vm1, $0xb8;
	[tilespmem:$0x10200] =	vst v63  }
0x7d: {  	s21 =	simm.s32 @!p0 $0x1200  }
0x7e: {  	[tilespmem:s21], [sflag:$0x1] =	stream.indirect_vreg.gather @!p0 [hbm4b:s6+s20], $0x80, v4, vm1, $0xb8;
	[tilespmem:$0x10200] =	vst v63  }
0x7f: {  	s21 =	simm.s32 @!p0 $0x1A00  }
0x80: {  	[tilespmem:s21], [sflag:$0x1] =	stream.indirect_vreg.gather @!p0 [hbm4b:s7+s20], $0x80, v4, vm1, $0xb8;
	[tilespmem:$0x10200] =	vst v63  }
0x81: {  	s21 =	simm.s32 @!p0 $0x2200  }
0x82: {  	v5 =	vor.u32 @!p0 $0x8, v5;
	[tilespmem:s21], [sflag:$0x1] =	stream.indirect_vreg.gather @!p0 [hbm4b:s8+s20], $0x80, v4, vm1, $0xb8;
	[tilespmem:$0x10200] =	vst v63  }
0x83: {  	v3 =	vperm.xlane @!p0 v3, v5;
	s21 =	simm.s32 @!p0 $0x2A00  }
0x84: {  	[tilespmem:s21], [sflag:$0x1] =	stream.indirect_vreg.gather @!p0 [hbm4b:s9+s20], $0x80, v4, vm1, $0xb8;
	[tilespmem:$0x10200] =	vst v63  }
0x85: {  	v3 =	vadd.s32 @!p0 v6, v3;
	s21 =	simm.s32 @!p0 $0x3200  }
0x86: {  	[tilespmem:s21], [sflag:$0x1] =	stream.indirect_vreg.gather @!p0 [hbm4b:s10+s20], $0x80, v4, vm1, $0xb8;
	[tilespmem:$0x10200] =	vst v63  }
0x87: {  	s21 =	simm.s32 @!p0 $0x3A00  }
0x88: {  	[tilespmem:s21], [sflag:$0x1] =	stream.indirect_vreg.gather @!p0 [hbm4b:s11+s20], $0x80, v4, vm1, $0xb8;
	[tilespmem:$0x10200] =	vst v63  }
0x89: {  	s21 =	simm.s32 @!p0 $0x4200  }
0x8a: {  	[tilespmem:s21], [sflag:$0x1] =	stream.indirect_vreg.gather @!p0 [hbm4b:s1+s20], $0x80, v3, vm1, $0xb8;
	[tilespmem:$0x10200] =	vst v63  }
0x8b: {  	s21 =	simm.s32 @!p0 $0x4A00  }
0x8c: {  	[tilespmem:s21], [sflag:$0x1] =	stream.indirect_vreg.gather @!p0 [hbm4b:s5+s20], $0x80, v3, vm1, $0xb8;
	[tilespmem:$0x10200] =	vst v63  }
0x8d: {  	s21 =	simm.s32 @!p0 $0x5200  }
0x8e: {  	[tilespmem:s21], [sflag:$0x1] =	stream.indirect_vreg.gather @!p0 [hbm4b:s6+s20], $0x80, v3, vm1, $0xb8;
	[tilespmem:$0x10200] =	vst v63  }
0x8f: {  	s21 =	simm.s32 @!p0 $0x5A00  }
0x90: {  	[tilespmem:s21], [sflag:$0x1] =	stream.indirect_vreg.gather @!p0 [hbm4b:s7+s20], $0x80, v3, vm1, $0xb8;
	[tilespmem:$0x10200] =	vst v63  }
0x91: {  	s21 =	simm.s32 @!p0 $0x6200  }
0x92: {  	[tilespmem:s21], [sflag:$0x1] =	stream.indirect_vreg.gather @!p0 [hbm4b:s8+s20], $0x80, v3, vm1, $0xb8;
	[tilespmem:$0x10200] =	vst v63  }
0x93: {  	s21 =	simm.s32 @!p0 $0x6A00  }
0x94: {  	[tilespmem:s21], [sflag:$0x1] =	stream.indirect_vreg.gather @!p0 [hbm4b:s9+s20], $0x80, v3, vm1, $0xb8;
	[tilespmem:$0x10200] =	vst v63  }
0x95: {  	s21 =	simm.s32 @!p0 $0x7200  }
0x96: {  	[tilespmem:s21], [sflag:$0x1] =	stream.indirect_vreg.gather @!p0 [hbm4b:s10+s20], $0x80, v3, vm1, $0xb8;
	[tilespmem:$0x10200] =	vst v63  }
0x97: {  	s21 =	simm.s32 @!p0 $0x7A00  }
0x98: {  	[tilespmem:s21], [sflag:$0x1] =	stream.indirect_vreg.gather @!p0 [hbm4b:s11+s20], $0x80, v3, vm1, $0xb8;
	[tilespmem:$0x10200] =	vst v63  }
0x99: {  	s18 =	sadd.s32 $0x2000, s18;
	_ =	swait.ge [sflag:s13], $0x8000  }
0x9a: {  	p0 =	sne.s32 s18, $0x20000;
	[sflag:s13] =	ssyncset.done $0x0  }
.Ltmp0:
0x9b: {  	s19 =	sadd.s32 $0x1000, s19;
	[sflag:s13] =	ssyncadd.s32 $0xFFFF8000;
	(pc) =	sbr.rel @p0 .LBB2_2-.Ltmp0, $4  }
0x9c: {  	[hbm4b:s19+s2] =	stream.linear.scatter [tilespmem:s0], [sflag:$0x3], $0x8000, $0x38;
	[tilespmem:$0x10200] =	vst v63  }
0x9d: {  	_ =	swait.ge [sflag:s15], $0x8000  }
0x9e: {  	[sflag:s15] =	ssyncset.done $0x0  }
0x9f: {  	s17 =	sadd.s32 $0x20, s17;
	[sflag:s15] =	ssyncadd.s32 $0xFFFF8000  }
0xa0: {  	s16 =	sadd.s32 $0x1, s16  }
0xa1: {  	p0 =	sne.s32 s16, s12  }
.Ltmp1:
0xa2: {  	_ = 	snop;
	(pc) =	sbr.rel @p0 .LBB2_1-.Ltmp1, $1  }
0xa3: {  	_ =	sdelay $0x3  }
0xa4: {  	_ =	sfence.sel $0x180000  }
0xa5: {  	[bflag:$0x0] =	sbarrier.arrive $0xFFFF  }
0xa6: {  	_ =	strace $0x90000047  }
0xa7: {  	s0 =	stileid.u32;
	[bflag:$0x2] =	sbarrier.arrive $0xFFFF  }
0xa8: {  	p0 =	sne.s32 s0, $0x0;
	s0 =	rddreg [dreg:$0x3]  }
0xa9: {  	s0 =	sadd.s32 @!p0 $0x100000, s0  }
0xaa: {  	[sflag:s0] =	ssyncadd.tile.s32 @!p0 $0x1;
	_ =	shalt  }
.Lfunc_end2:
_tile_overlayer_lowered:
.L_overlay_start_2:
0xab: {  	(tag) =	ssettag $0x2  }
0xac: {  	s0 =	rddreg [dreg:$0x0];
	s2 =	stileid.u32  }
0xad: {  	s1 =	rddreg [dreg:$0x1];
	p0 =	sne.s32 s2, $0x0  }
0xae: {  	s3 =	rddreg [dreg:$0x2];
	[bflag:$0x3] =	sbarrier.arrive $0xFFFF;
	s2 =	simm.s32 @!p0 $0x1C03  }
0xaf: {  	[timem:s3], [sflag:s2] =	dma.local @!p0 [hbm:s0], s1  }
0xb0: {  	s0 =	simm.s32 @!p0 $0x3  }
0xb1: {  	_ =	swait.ge @!p0 [sflag:s0], s1  }
0xb2: {  	s1 =	ssub.s32 @!p0 $0x0, s1;
	[sflag:s0] =	ssyncset.done @!p0 $0x0  }
0xb3: {  	[sflag:s0] =	ssyncadd.s32 @!p0 s1  }
0xb4: {  	[bflag:$0x3] =	sbarrier.arrive $0xFFFF  }
0xb5: {  	_ =	shalt  }

</sc_bundles>
